<compile_context>
chip_gen: v7x
topology: tpu7x:2x2x1
jax: 0.10.2.dev20260603
libtpu: 0.0.44.dev20260713+nightly
codegen_flags: <defaults>
</compile_context>

<pallas_src>
import functools
import jax
import jax.numpy as jnp
from jax import lax
from jax.experimental import pallas as pl
from jax.experimental.pallas import tpu as pltpu
from jax.experimental.pallas import tpu_sc as plsc

_K = 32
_ALPHA = 0.1


def _make_sc_mse(n):
    info = plsc.get_sparse_core_info()
    nw = info.num_cores * info.num_subcores
    lanes = info.num_lanes
    per_w = n // nw
    n_chunks = per_w // lanes
    mesh = plsc.VectorSubcoreMesh(core_axis_name="c", subcore_axis_name="s")

    @functools.partial(
        pl.kernel,
        mesh=mesh,
        out_type=jax.ShapeDtypeStruct((nw, lanes), jnp.float32),
        scratch_types=[
            pltpu.VMEM((per_w,), jnp.float32),
            pltpu.VMEM((per_w,), jnp.float32),
            pltpu.VMEM((lanes,), jnp.float32),
        ],
    )
    def sc_mse(x_hbm, y_hbm, out_hbm, xv, yv, res_v):
        wid = lax.axis_index("s") * info.num_cores + lax.axis_index("c")
        base = wid * per_w
        pltpu.sync_copy(x_hbm.at[pl.ds(base, per_w)], xv)
        pltpu.sync_copy(y_hbm.at[pl.ds(base, per_w)], yv)

        def body(i, acc):
            d = xv[pl.ds(i * lanes, lanes)] - yv[pl.ds(i * lanes, lanes)]
            return acc + d * d

        acc = jax.lax.fori_loop(0, n_chunks, body, jnp.zeros((lanes,), jnp.float32))
        res_v[...] = acc
        pltpu.sync_copy(res_v, out_hbm.at[wid])

    return sc_mse


def _topk_kernel(a_ref, bot_ref, *, n_iter, n_split):
    a = a_ref[...]
    ai = jax.lax.bitcast_convert_type(a, jnp.int32)

    r = a.shape[0]
    rs = r // n_split
    parts = [ai[i * rs:(i + 1) * rs] for i in range(n_split)]

    lo0 = jnp.full((rs, 1), -1, dtype=jnp.int32)
    hi0 = jnp.full((rs, 1), 0x7F800000, dtype=jnp.int32)

    def body(_, carry):
        out = []
        for (lo, hi), part in zip(carry, parts):
            mid = (lo + hi) >> 1
            c = jnp.sum((part > mid).astype(jnp.float32), axis=1, keepdims=True)
            take = c >= _K
            lo = jnp.where(take, mid, lo)
            hi = jnp.where(take, hi, mid)
            out.append((lo, hi))
        return tuple(out)

    carry0 = tuple((lo0, hi0) for _ in range(n_split))
    carry = jax.lax.fori_loop(0, n_iter, body, carry0)
    hi = jnp.concatenate([h for (_, h) in carry], axis=0)

    t = jax.lax.bitcast_convert_type(hi, jnp.float32)
    m = ai > hi
    sq = a * a
    c_gt = jnp.sum(m.astype(jnp.float32), axis=1, keepdims=True)
    s_le = jnp.sum(jnp.where(m, 0.0, sq), axis=1, keepdims=True)
    bot = s_le - (_K - c_gt) * (t * t)
    bot_ref[...] = jnp.sum(bot).reshape(1, 1, 1)


def kernel(x, y, attn):
    s = attn.shape[-1]
    rows = attn.size // s
    a2 = attn.reshape(rows, s)

    block_r = min(512, rows)
    grid = rows // block_r

    xf = x.reshape(-1)
    yf = y.reshape(-1)
    sse_parts = _make_sc_mse(xf.size)(xf, yf)

    bot = pl.pallas_call(
        functools.partial(_topk_kernel, n_iter=31, n_split=2),
        grid=(grid,),
        in_specs=[pl.BlockSpec((block_r, s), lambda i: (i, 0))],
        out_specs=pl.BlockSpec((1, 1, 1), lambda i: (i, 0, 0)),
        out_shape=jax.ShapeDtypeStruct((grid, 1, 1), jnp.float32),
    )(a2)

    rec_loss = jnp.sum(sse_parts) / x.size
    attn_loss = jnp.sum(bot) / attn.size
    return rec_loss + _ALPHA * attn_loss

# --- scband reference (transcript-rebuilt; emitter-appended) ---
"""Pipeline reference for scband-attnloss-28991029248379 (READ-ONLY COPY).

The authoritative reference and input builder live on the scoring server;
editing this copy changes nothing except your own understanding.
"""

import jax, jax.numpy as jnp
import numpy as np

ALPHA = 0.1
TOP_K = 32

def setup_inputs(seed: int = 0) -> dict:
    key = jax.random.key(seed)
    k1, k2, k3 = jax.random.split(key, 3)
    x = jax.random.normal(k1, (1, 2048, 768), dtype=jnp.float32)
    y = jax.random.normal(k2, (1, 2048, 768), dtype=jnp.float32)
    attn = jax.random.uniform(k3, (1, 12, 2048, 2048), dtype=jnp.float32)
    return {"x": x, "y": y, "attn": attn}

def _approx_attn(attn, k):
    vals, idx = jax.lax.top_k(attn, k)
    S = attn.shape[-1]
    flat = attn.reshape(-1, S)
    vals_f = vals.reshape(-1, k)
    idx_f = idx.reshape(-1, k)
    rows = jnp.arange(flat.shape[0])[:, None]
    aprx = jnp.zeros_like(flat).at[rows, idx_f].set(vals_f)
    return aprx.reshape(attn.shape)

def reference(x, y, attn):
    rec_loss = jnp.mean((x - y) ** 2)
    aprx = _approx_attn(attn, TOP_K)
    attn_loss = jnp.mean((attn - aprx) ** 2)
    return rec_loss + ALPHA * attn_loss

if __name__ == "__main__":
    import jax
    _d = setup_inputs()
    print(jax.jit(kernel)(*tuple(_d.values())))

</pallas_src>

<mosaic_0001>
#map = affine_map<(d0, d1) -> (0)>
#map1 = affine_map<(d0, d1) -> (0, 0)>
module attributes {stable_mosaic.version = 14 : i64} {
  func.func @sc_mse(%arg0: i32, %arg1: i32, %arg2: memref<1572864xf32, #tpu.memory_space<hbm>>, %arg3: memref<1572864xf32, #tpu.memory_space<hbm>>, %arg4: memref<32x16xf32, #tpu.memory_space<hbm>>, %arg5: memref<49152xf32, #tpu.memory_space<vmem>>, %arg6: memref<49152xf32, #tpu.memory_space<vmem>>, %arg7: memref<16xf32, #tpu.memory_space<vmem>>) attributes {dimension_semantics = [#tpu.dimension_semantics<core_parallel>, #tpu.dimension_semantics<subcore_parallel>], iteration_bounds = array<i64: 2, 16>, scalar_prefetch = 0 : i64, scratch_operands = 3 : i64, tpu.core_type = #tpu.core_type<sc_vector_subcore>, window_params = [{transform_indices = #map}, {transform_indices = #map}, {transform_indices = #map1}]} {
    %mul3A = arith.constant 2 : i32
    %mul3A_0 = arith.muli %arg1, %mul3A : i32
    %add3A = arith.addi %mul3A_0, %arg0 : i32
    %mul3A_1 = arith.constant 49152 : i32
    %mul3A_2 = arith.muli %add3A, %mul3A_1 : i32
    "tpu.region"() ({
      %run_scoped3A = tpu.sem_alloc : memref<!tpu.dma_semaphore, #tpu.memory_space<semaphore_mem>>
      %dma_start3A = tpu.memref_slice %arg2[%mul3A_2] : memref<1572864xf32, #tpu.memory_space<hbm>> -> memref<49152xf32, #tpu.memory_space<hbm>>
      %dma_start3A_12 = tpu.memref_slice %arg2[%mul3A_2] : memref<1572864xf32, #tpu.memory_space<hbm>> -> memref<49152xf32, #tpu.memory_space<hbm>>
      tpu.enqueue_dma source(%dma_start3A_12 : memref<49152xf32, #tpu.memory_space<hbm>>) target(%arg5 : memref<49152xf32, #tpu.memory_space<vmem>>) target_semaphore(%run_scoped3A : memref<!tpu.dma_semaphore, #tpu.memory_space<semaphore_mem>>)
      %dma_wait3A = tpu.memref_slice %arg2[%mul3A_2] : memref<1572864xf32, #tpu.memory_space<hbm>> -> memref<49152xf32, #tpu.memory_space<hbm>>
      %dma_wait3A_13 = tpu.memref_slice %arg2[%mul3A_2] : memref<1572864xf32, #tpu.memory_space<hbm>> -> memref<49152xf32, #tpu.memory_space<hbm>>
      tpu.wait_dma2 semaphore(%run_scoped3A : memref<!tpu.dma_semaphore, #tpu.memory_space<semaphore_mem>>) src(%dma_wait3A_13 : memref<49152xf32, #tpu.memory_space<hbm>>) dst(%arg5 : memref<49152xf32, #tpu.memory_space<vmem>>)
      tpu.yield
    }) : () -> ()
    "tpu.region"() ({
      %run_scoped3A = tpu.sem_alloc : memref<!tpu.dma_semaphore, #tpu.memory_space<semaphore_mem>>
      %dma_start3A = tpu.memref_slice %arg3[%mul3A_2] : memref<1572864xf32, #tpu.memory_space<hbm>> -> memref<49152xf32, #tpu.memory_space<hbm>>
      %dma_start3A_12 = tpu.memref_slice %arg3[%mul3A_2] : memref<1572864xf32, #tpu.memory_space<hbm>> -> memref<49152xf32, #tpu.memory_space<hbm>>
      tpu.enqueue_dma source(%dma_start3A_12 : memref<49152xf32, #tpu.memory_space<hbm>>) target(%arg6 : memref<49152xf32, #tpu.memory_space<vmem>>) target_semaphore(%run_scoped3A : memref<!tpu.dma_semaphore, #tpu.memory_space<semaphore_mem>>)
      %dma_wait3A = tpu.memref_slice %arg3[%mul3A_2] : memref<1572864xf32, #tpu.memory_space<hbm>> -> memref<49152xf32, #tpu.memory_space<hbm>>
      %dma_wait3A_13 = tpu.memref_slice %arg3[%mul3A_2] : memref<1572864xf32, #tpu.memory_space<hbm>> -> memref<49152xf32, #tpu.memory_space<hbm>>
      tpu.wait_dma2 semaphore(%run_scoped3A : memref<!tpu.dma_semaphore, #tpu.memory_space<semaphore_mem>>) src(%dma_wait3A_13 : memref<49152xf32, #tpu.memory_space<hbm>>) dst(%arg6 : memref<49152xf32, #tpu.memory_space<vmem>>)
      tpu.yield
    }) : () -> ()
    %broadcast_in_dim3A = arith.constant 0.000000e+00 : f32
    %broadcast_in_dim3A_3 = vector.broadcast %broadcast_in_dim3A : f32 to vector<16xf32>
    %scan3A = arith.constant 0 : i32
    %scan3A_4 = arith.constant 3072 : i32
    %scan3A_5 = arith.addi %scan3A, %scan3A_4 : i32
    %scan3A_6 = arith.constant 1 : i32
    %scan3A_7 = scf.for %scan3A_12 = %scan3A to %scan3A_5 step %scan3A_6 iter_args(%scan3A_13 = %broadcast_in_dim3A_3) -> (vector<16xf32>)  : i32 {
      %mul3A_14 = arith.constant 16 : i32
      %mul3A_15 = arith.muli %scan3A_12, %mul3A_14 : i32
      %get3A = arith.index_cast %mul3A_15 : i32 to index
      %get3A_16 = tpu.vector_load %arg5[%get3A] {strides = array<i32>} : memref<49152xf32, #tpu.memory_space<vmem>>, vector<16xf32>,
      %get3A_17 = vector.shape_cast %get3A_16 : vector<16xf32> to vector<16xf32>
      %mul3A_18 = arith.constant 16 : i32
      %mul3A_19 = arith.muli %scan3A_12, %mul3A_18 : i32
      %get3A_20 = arith.index_cast %mul3A_19 : i32 to index
      %get3A_21 = tpu.vector_load %arg6[%get3A_20] {strides = array<i32>} : memref<49152xf32, #tpu.memory_space<vmem>>, vector<16xf32>,
      %get3A_22 = vector.shape_cast %get3A_21 : vector<16xf32> to vector<16xf32>
      %sub3A = arith.subf %get3A_17, %get3A_22 : vector<16xf32>
      %mul3A_23 = arith.mulf %sub3A, %sub3A : vector<16xf32>
      %add3A_24 = arith.addf %scan3A_13, %mul3A_23 : vector<16xf32>
      scf.yield %add3A_24 : vector<16xf32>
    }
    %scan3A_8 = arith.constant 3072 : i32
    %swap3A = arith.constant 0 : index
    %swap3A_9 = tpu.vector_load %arg7[%swap3A] {strides = array<i32>} : memref<16xf32, #tpu.memory_space<vmem>>, vector<16xf32>,
    %swap3A_10 = vector.shape_cast %swap3A_9 : vector<16xf32> to vector<16xf32>
    %swap3A_11 = vector.shape_cast %scan3A_7 : vector<16xf32> to vector<16xf32>
    tpu.vector_store %arg7[%swap3A], %swap3A_11 {strides = array<i32>} : memref<16xf32, #tpu.memory_space<vmem>>, vector<16xf32>,
    "tpu.region"() ({
      %run_scoped3A = tpu.sem_alloc : memref<!tpu.dma_semaphore, #tpu.memory_space<semaphore_mem>>
      %dma_start3A = arith.constant 0 : i32
      %dma_start3A_12 = tpu.memref_slice %arg4[%add3A, %dma_start3A] : memref<32x16xf32, #tpu.memory_space<hbm>> -> memref<1x16xf32, #tpu.memory_space<hbm>>
      %dma_start3A_13 = tpu.memref_squeeze %dma_start3A_12 : memref<1x16xf32, #tpu.memory_space<hbm>> -> memref<16xf32, #tpu.memory_space<hbm>>
      %dma_start3A_14 = arith.constant 0 : i32
      %dma_start3A_15 = tpu.memref_slice %arg4[%add3A, %dma_start3A_14] : memref<32x16xf32, #tpu.memory_space<hbm>> -> memref<1x16xf32, #tpu.memory_space<hbm>>
      %dma_start3A_16 = tpu.memref_squeeze %dma_start3A_15 : memref<1x16xf32, #tpu.memory_space<hbm>> -> memref<16xf32, #tpu.memory_space<hbm>>
      tpu.enqueue_dma source(%arg7 : memref<16xf32, #tpu.memory_space<vmem>>) target(%dma_start3A_16 : memref<16xf32, #tpu.memory_space<hbm>>) target_semaphore(%run_scoped3A : memref<!tpu.dma_semaphore, #tpu.memory_space<semaphore_mem>>)
      %dma_wait3A = arith.constant 0 : i32
      %dma_wait3A_17 = tpu.memref_slice %arg4[%add3A, %dma_wait3A] : memref<32x16xf32, #tpu.memory_space<hbm>> -> memref<1x16xf32, #tpu.memory_space<hbm>>
      %dma_wait3A_18 = tpu.memref_squeeze %dma_wait3A_17 : memref<1x16xf32, #tpu.memory_space<hbm>> -> memref<16xf32, #tpu.memory_space<hbm>>
      %dma_wait3A_19 = arith.constant 0 : i32
      %dma_wait3A_20 = tpu.memref_slice %arg4[%add3A, %dma_wait3A_19] : memref<32x16xf32, #tpu.memory_space<hbm>> -> memref<1x16xf32, #tpu.memory_space<hbm>>
      %dma_wait3A_21 = tpu.memref_squeeze %dma_wait3A_20 : memref<1x16xf32, #tpu.memory_space<hbm>> -> memref<16xf32, #tpu.memory_space<hbm>>
      tpu.wait_dma2 semaphore(%run_scoped3A : memref<!tpu.dma_semaphore, #tpu.memory_space<semaphore_mem>>) src(%arg7 : memref<16xf32, #tpu.memory_space<vmem>>) dst(%dma_wait3A_21 : memref<16xf32, #tpu.memory_space<hbm>>)
      tpu.yield
    }) : () -> ()
    return
  }
}

module attributes {stable_mosaic.version = 14 : i64} {
  func.func @_topk_kernel(%arg0: i32, %arg1: memref<512x2048xf32, #tpu.memory_space<vmem>>, %arg2: memref<1x1x1xf32, #tpu.memory_space<vmem>>) attributes {dimension_semantics = [#tpu.dimension_semantics<arbitrary>], iteration_bounds = array<i64: 48>, scalar_prefetch = 0 : i64, scratch_operands = 0 : i64, tpu.core_type = #tpu.core_type<tc>, window_params = [{transform_indices = @transform_0, window_bounds = array<i64: 512, 2048>}, {transform_indices = @transform_1, window_bounds = array<i64: 1, 1, 1>}]} {
    %get3A = arith.constant 0 : index
    %get3A_0 = arith.constant 0 : index
    %get3A_1 = vector.load %arg1[%get3A, %get3A_0] : memref<512x2048xf32, #tpu.memory_space<vmem>>, vector<512x2048xf32>
    %bitcast_convert_type3A = tpu.bitcast %get3A_1 : vector<512x2048xf32> -> vector<512x2048xi32>
    %slice3A = vector.extract_strided_slice %bitcast_convert_type3A {offsets = [0, 0], sizes = [256, 2048], strides = [1, 1]} : vector<512x2048xi32> to vector<256x2048xi32>
    %slice3A_2 = vector.extract_strided_slice %bitcast_convert_type3A {offsets = [256, 0], sizes = [256, 2048], strides = [1, 1]} : vector<512x2048xi32> to vector<256x2048xi32>
    %broadcast_in_dim3A = arith.constant -1 : i32
    %broadcast_in_dim3A_3 = vector.broadcast %broadcast_in_dim3A : i32 to vector<256x1xi32>
    %broadcast_in_dim3A_4 = arith.constant 2139095040 : i32
    %broadcast_in_dim3A_5 = vector.broadcast %broadcast_in_dim3A_4 : i32 to vector<256x1xi32>
    %scan3A = arith.constant 0 : i32
    %scan3A_6 = arith.constant 31 : i32
    %scan3A_7 = arith.addi %scan3A, %scan3A_6 : i32
    %scan3A_8 = arith.constant 1 : i32
    %scan3A_9:4 = scf.for %scan3A_32 = %scan3A to %scan3A_7 step %scan3A_8 iter_args(%scan3A_33 = %broadcast_in_dim3A_3, %scan3A_34 = %broadcast_in_dim3A_5, %scan3A_35 = %broadcast_in_dim3A_3, %scan3A_36 = %broadcast_in_dim3A_5) -> (vector<256x1xi32>, vector<256x1xi32>, vector<256x1xi32>, vector<256x1xi32>)  : i32 {
      %add3A = arith.addi %scan3A_33, %scan3A_34 : vector<256x1xi32>
      %shift_right_arithmetic3A = arith.constant 1 : i32
      %shift_right_arithmetic3A_37 = vector.broadcast %shift_right_arithmetic3A : i32 to vector<256x1xi32>
      %shift_right_arithmetic3A_38 = arith.shrsi %add3A, %shift_right_arithmetic3A_37 : vector<256x1xi32>
      %gt3A_39 = vector.broadcast %shift_right_arithmetic3A_38 : vector<256x1xi32> to vector<256x2048xi32>
      %gt3A_40 = arith.cmpi sgt, %slice3A, %gt3A_39 : vector<256x2048xi32>
      %convert_element_type3A_41 = arith.extui %gt3A_40 : vector<256x2048xi1> to vector<256x2048xi32>
      %convert_element_type3A_42 = arith.sitofp %convert_element_type3A_41 : vector<256x2048xi32> to vector<256x2048xf32>
      %reduce_sum3A_43 = arith.constant dense<0.000000e+00> : vector<256xf32>
      %reduce_sum3A_44 = vector.multi_reduction <add>, %convert_element_type3A_42, %reduce_sum3A_43 [1] : vector<256x2048xf32> to vector<256xf32>
      %broadcast_in_dim3A_45 = vector.shape_cast %reduce_sum3A_44 : vector<256xf32> to vector<256x1xf32>
      %ge3A = arith.constant 3.200000e+01 : f32
      %ge3A_46 = vector.broadcast %ge3A : f32 to vector<256x1xf32>
      %ge3A_47 = arith.cmpf oge, %broadcast_in_dim3A_45, %ge3A_46 : vector<256x1xf32>
      %select_n3A_48 = arith.select %ge3A_47, %shift_right_arithmetic3A_38, %scan3A_33 : vector<256x1xi1>, vector<256x1xi32>
      %select_n3A_49 = arith.select %ge3A_47, %scan3A_34, %shift_right_arithmetic3A_38 : vector<256x1xi1>, vector<256x1xi32>
      %add3A_50 = arith.addi %scan3A_35, %scan3A_36 : vector<256x1xi32>
      %shift_right_arithmetic3A_51 = arith.constant 1 : i32
      %shift_right_arithmetic3A_52 = vector.broadcast %shift_right_arithmetic3A_51 : i32 to vector<256x1xi32>
      %shift_right_arithmetic3A_53 = arith.shrsi %add3A_50, %shift_right_arithmetic3A_52 : vector<256x1xi32>
      %gt3A_54 = vector.broadcast %shift_right_arithmetic3A_53 : vector<256x1xi32> to vector<256x2048xi32>
      %gt3A_55 = arith.cmpi sgt, %slice3A_2, %gt3A_54 : vector<256x2048xi32>
      %convert_element_type3A_56 = arith.extui %gt3A_55 : vector<256x2048xi1> to vector<256x2048xi32>
      %convert_element_type3A_57 = arith.sitofp %convert_element_type3A_56 : vector<256x2048xi32> to vector<256x2048xf32>
      %reduce_sum3A_58 = arith.constant dense<0.000000e+00> : vector<256xf32>
      %reduce_sum3A_59 = vector.multi_reduction <add>, %convert_element_type3A_57, %reduce_sum3A_58 [1] : vector<256x2048xf32> to vector<256xf32>
      %broadcast_in_dim3A_60 = vector.shape_cast %reduce_sum3A_59 : vector<256xf32> to vector<256x1xf32>
      %ge3A_61 = arith.constant 3.200000e+01 : f32
      %ge3A_62 = vector.broadcast %ge3A_61 : f32 to vector<256x1xf32>
      %ge3A_63 = arith.cmpf oge, %broadcast_in_dim3A_60, %ge3A_62 : vector<256x1xf32>
      %select_n3A_64 = arith.select %ge3A_63, %shift_right_arithmetic3A_53, %scan3A_35 : vector<256x1xi1>, vector<256x1xi32>
      %select_n3A_65 = arith.select %ge3A_63, %scan3A_36, %shift_right_arithmetic3A_53 : vector<256x1xi1>, vector<256x1xi32>
      scf.yield %select_n3A_48, %select_n3A_49, %select_n3A_64, %select_n3A_65 : vector<256x1xi32>, vector<256x1xi32>, vector<256x1xi32>, vector<256x1xi32>
    }
    %concatenate3A = tpu.concatenate %scan3A_9#1, %scan3A_9#3 in 0 : vector<256x1xi32>, vector<256x1xi32> -> vector<512x1xi32>
    %bitcast_convert_type3A_10 = tpu.bitcast %concatenate3A : vector<512x1xi32> -> vector<512x1xf32>
    %gt3A = vector.broadcast %concatenate3A : vector<512x1xi32> to vector<512x2048xi32>
    %gt3A_11 = arith.cmpi sgt, %bitcast_convert_type3A, %gt3A : vector<512x2048xi32>
    %mul3A = arith.mulf %get3A_1, %get3A_1 : vector<512x2048xf32>
    %convert_element_type3A = arith.extui %gt3A_11 : vector<512x2048xi1> to vector<512x2048xi32>
    %convert_element_type3A_12 = arith.sitofp %convert_element_type3A : vector<512x2048xi32> to vector<512x2048xf32>
    %reduce_sum3A = arith.constant dense<0.000000e+00> : vector<512xf32>
    %reduce_sum3A_13 = vector.multi_reduction <add>, %convert_element_type3A_12, %reduce_sum3A [1] : vector<512x2048xf32> to vector<512xf32>
    %broadcast_in_dim3A_14 = vector.shape_cast %reduce_sum3A_13 : vector<512xf32> to vector<512x1xf32>
    %jit3A = arith.constant 0.000000e+00 : f32
    %broadcast_in_dim3A_15 = vector.broadcast %jit3A : f32 to vector<512x2048xf32>
    %select_n3A = arith.select %gt3A_11, %broadcast_in_dim3A_15, %mul3A : vector<512x2048xi1>, vector<512x2048xf32>
    %reduce_sum3A_16 = arith.constant dense<0.000000e+00> : vector<512xf32>
    %reduce_sum3A_17 = vector.multi_reduction <add>, %select_n3A, %reduce_sum3A_16 [1] : vector<512x2048xf32> to vector<512xf32>
    %broadcast_in_dim3A_18 = vector.shape_cast %reduce_sum3A_17 : vector<512xf32> to vector<512x1xf32>
    %sub3A = arith.constant 3.200000e+01 : f32
    %sub3A_19 = vector.broadcast %sub3A : f32 to vector<512x1xf32>
    %sub3A_20 = arith.subf %sub3A_19, %broadcast_in_dim3A_14 : vector<512x1xf32>
    %mul3A_21 = arith.mulf %bitcast_convert_type3A_10, %bitcast_convert_type3A_10 : vector<512x1xf32>
    %mul3A_22 = arith.mulf %sub3A_20, %mul3A_21 : vector<512x1xf32>
    %sub3A_23 = arith.subf %broadcast_in_dim3A_18, %mul3A_22 : vector<512x1xf32>
    %reduce_sum3A_24 = vector.shape_cast %sub3A_23 : vector<512x1xf32> to vector<1x512x1xf32>
    %reduce_sum3A_25 = arith.constant dense<0.000000e+00> : vector<1xf32>
    %reduce_sum3A_26 = vector.multi_reduction <add>, %reduce_sum3A_24, %reduce_sum3A_25 [1, 2] : vector<1x512x1xf32> to vector<1xf32>
    %reduce_sum3A_27 = vector.shape_cast %reduce_sum3A_26 : vector<1xf32> to vector<1x1x1xf32>
    %reduce_sum3A_28 = vector.extract %reduce_sum3A_27[0, 0, 0] : f32 from vector<1x1x1xf32>
    %reshape3A = vector.broadcast %reduce_sum3A_28 : f32 to vector<1x1x1xf32>
    %swap3A = arith.constant 0 : index
    %swap3A_29 = arith.constant 0 : index
    %swap3A_30 = arith.constant 0 : index
    %swap3A_31 = vector.load %arg2[%swap3A, %swap3A_29, %swap3A_30] : memref<1x1x1xf32, #tpu.memory_space<vmem>>, vector<1x1x1xf32>
    tpu.vector_store %arg2[%swap3A, %swap3A_29, %swap3A_30], %reshape3A {strides = array<i32>} : memref<1x1x1xf32, #tpu.memory_space<vmem>>, vector<1x1x1xf32>,
    return
  }
  func.func @transform_0(%arg0: i32) -> (i32, i32) {
    %c0_i32 = arith.constant 0 : i32
    %c0_i32_0 = arith.constant 0 : i32
    return %arg0, %c0_i32 : i32, i32
  }
  func.func @transform_1(%arg0: i32) -> (i32, i32, i32) {
    %c0_i32 = arith.constant 0 : i32
    %c0_i32_0 = arith.constant 0 : i32
    %c0_i32_1 = arith.constant 0 : i32
    return %arg0, %c0_i32, %c0_i32_0 : i32, i32, i32
  }
}

</mosaic_0001>

<sc_bundles>
// kernel: kernel.4.cloned.1.call-start
scs
__scs_entry_jumppad:
0x0: {  	(pc) =	sbr.rel $0x88, $3  }
0x1: {  	(tag) =	ssettag $0x0;
	lr =	simm.s32 $0x1  }
0x2: {  	[smem:$0x3F9E] =	sst lr;
	_ =	strace $0xD0000000  }
0x3: {  	_ = 	snop  }
0x4: {  	_ = 	snop  }
0x5: {  	_ = 	snop  }
0x6: {  	_ = 	snop  }
0x7: {  	_ = 	snop  }
__scs_overlays_trampoline_lowered:
0x8: {  	[smem:$0x3FAD] =	sst s0  }
0x9: {  	[smem:$0x3FAE] =	sst s1  }
0xa: {  	[smem:$0x3FAF] =	sst s2  }
0xb: {  	[smem:$0x3FB0] =	sst s3  }
0xc: {  	[smem:$0x3FB1] =	sst s4  }
0xd: {  	[smem:$0x3FB2] =	sst s5  }
0xe: {  	[smem:$0x3FB3] =	sst s6  }
0xf: {  	[smem:$0x3FB4] =	sst s7  }
0x10: {  	[smem:$0x3FB5] =	sst s8  }
0x11: {  	[smem:$0x3FB6] =	sst s9;
	s0 =	simm.s32 @!p0 $0x0  }
0x12: {  	s1 =	sld [smem:$0x3F9C];
	s0 =	simm.s32 @p0 $0x1  }
0x13: {  	[smem:$0x3FB7] =	sst s0;
	s0 =	simm.s32 @!p1 $0x0  }
0x14: {  	s2 =	sld [smem:$0x3F9B];
	s0 =	simm.s32 @p1 $0x1  }
0x15: {  	[smem:$0x3FB8] =	sst s0;
	s0 =	simm.s32 @!p2 $0x0  }
0x16: {  	s3 =	sld [smem:$0x3FDB];
	s0 =	simm.s32 @p2 $0x1  }
0x17: {  	s4 =	simm.s32 $0x1BF5;
	[smem:$0x3FBA] =	sst s0  }
0x18: {  	s0 =	sld [smem:$0x3F9D];
	_ =	swait.ge [sflag:s4], $0x0  }
0x19: {  	s7 =	sld [smem:$0x3F9E]  }
0x1a: {  	s8 =	sadd.s32 $0xFFFFE003, lr  }
0x1b: {  	s9 =	sadd.s32 $0xFFFFFEF7, lr;
	s5 =	simm.s32 $0xFFFFFFFF;
	p2 =	slt.u32 s8, $0xFFFFF086  }
0x1c: {  	p1 =	slt.u32 s9, $0xF7A;
	s5 =	simm.s32 @!p2 $0x0  }
0x1d: {  	s5 =	simm.s32 @p1 $0x1;
	p0 =	seq.s32 s7, s2  }
0x1e: {  	s7 =	smul.u32 @!p0 $0xF7A, s2;
	p2 =	seq.s32 @!p0 s5, $0x0  }
0x1f: {  	s9 =	smul.u32 $0xF7A, s1;
	s8 =	simm.s32 @!p0 $0x1BF5;
	p2 =	por !p2, p0  }
0x20: {  	[sflag:s8] =	ssyncset.s32 @!p0 $0xFFFFF086;
	s6 =	sadd.s32 @!p0 s3, s7;
	s7 =	simm.s32 @!p0 $0x108  }
0x21: {  	s3 =	sadd.s32 s3, s9;
	s6 =	sadd.s32 @!p0 $0x88, s6;
	s7 =	simm.s32 @p2 $0x1082  }
0x22: {  	[simem:s7], [sflag:s8] =	dma.local @!p0 [hbm:s6], $0xF7A  }
0x23: {  	s9 =	sor.u32 $0xD0000000, s2;
	s6 =	simm.s32 $0x108;
	_ =	swait.ge @!p0 [sflag:s8], $0x0  }
0x24: {  	s3 =	sadd.s32 $0x88, s3;
	s6 =	simm.s32 @!p1 $0x1082;
	[sflag:s4] =	ssyncset.s32 $0xFFFFF086  }
0x25: {  	[simem:s6], [sflag:s4] =	dma.local [hbm:s3], $0xF7A  }
0x26: {  	[smem:$0x3F9E] =	sst s1;
	(tag) =	ssettag s2;
	_ =	strace s9  }
0x27: {  	s1 =	sld [smem:$0x3FAE]  }
0x28: {  	s2 =	sld [smem:$0x3FAF]  }
0x29: {  	s4 =	sld [smem:$0x3FB1]  }
0x2a: {  	p0 =	seq.s32 s5, $0x0;
	s5 =	sld [smem:$0x3FB2]  }
0x2b: {  	s6 =	sld [smem:$0x3FB3]  }
0x2c: {  	s7 =	sld [smem:$0x3FB4]  }
0x2d: {  	s3 =	simm.s32 $0x108;
	s8 =	sld [smem:$0x3FB5]  }
0x2e: {  	s3 =	simm.s32 @!p0 $0x1082;
	s9 =	sld [smem:$0x3FB6]  }
0x2f: {  	lr =	sadd.s32 s0, s3;
	s0 =	sld [smem:$0x3FAD]  }
0x30: {  	s3 =	sld [smem:$0x3FB0]  }
0x31: {  	[smem:$0x3FB9] =	sst s10  }
0x32: {  	s10 =	sld [smem:$0x3FB7];
	_ =	sdelay $0x3  }
0x33: {  	p0 =	seq.s32 s10, $0x1;
	s10 =	sld [smem:$0x3FB9];
	_ =	sdelay $0x3  }
0x34: {  	[smem:$0x3FB9] =	sst s10  }
0x35: {  	s10 =	sld [smem:$0x3FB8];
	_ =	sdelay $0x3  }
0x36: {  	p1 =	seq.s32 s10, $0x1;
	s10 =	sld [smem:$0x3FB9];
	_ =	sdelay $0x3  }
0x37: {  	[smem:$0x3FB9] =	sst s10  }
0x38: {  	s10 =	sld [smem:$0x3FBA]  }
0x39: {  	_ = 	snop;
	(pc) =	sbr.ind lr, $3  }
0x3a: {  	_ = 	snop  }
0x3b: {  	_ = 	snop  }
0x3c: {  	p2 =	seq.s32 s10, $0x1;
	s10 =	sld [smem:$0x3FB9]  }
0x3d: {  	_ =	shalt  }
0x3e: {  	_ =	shalt  }
0x3f: {  	_ =	shalt  }
0x40: {  	_ =	shalt  }
0x41: {  	_ =	shalt  }
0x42: {  	_ =	shalt  }
0x43: {  	_ =	shalt  }
0x44: {  	_ =	shalt  }
0x45: {  	_ =	shalt  }
0x46: {  	_ =	shalt  }
0x47: {  	_ =	shalt  }
0x48: {  	_ =	shalt  }
0x49: {  	_ =	shalt  }
0x4a: {  	_ =	shalt  }
0x4b: {  	_ =	shalt  }
0x4c: {  	_ =	shalt  }
0x4d: {  	_ =	shalt  }
0x4e: {  	_ =	shalt  }
0x4f: {  	_ =	shalt  }
0x50: {  	_ =	shalt  }
0x51: {  	_ =	shalt  }
0x52: {  	_ =	shalt  }
0x53: {  	_ =	shalt  }
0x54: {  	_ =	shalt  }
0x55: {  	_ =	shalt  }
0x56: {  	_ =	shalt  }
0x57: {  	_ =	shalt  }
0x58: {  	_ =	shalt  }
0x59: {  	_ =	shalt  }
0x5a: {  	_ =	shalt  }
0x5b: {  	_ =	shalt  }
0x5c: {  	_ =	shalt  }
0x5d: {  	_ =	shalt  }
0x5e: {  	_ =	shalt  }
0x5f: {  	_ =	shalt  }
0x60: {  	_ =	shalt  }
0x61: {  	_ =	shalt  }
0x62: {  	_ =	shalt  }
0x63: {  	_ =	shalt  }
0x64: {  	_ =	shalt  }
0x65: {  	_ =	shalt  }
0x66: {  	_ =	shalt  }
0x67: {  	_ =	shalt  }
0x68: {  	_ =	shalt  }
0x69: {  	_ =	shalt  }
0x6a: {  	_ =	shalt  }
0x6b: {  	_ =	shalt  }
0x6c: {  	_ =	shalt  }
0x6d: {  	_ =	shalt  }
0x6e: {  	_ =	shalt  }
0x6f: {  	_ =	shalt  }
0x70: {  	_ =	shalt  }
0x71: {  	_ =	shalt  }
0x72: {  	_ =	shalt  }
0x73: {  	_ =	shalt  }
0x74: {  	_ =	shalt  }
0x75: {  	_ =	shalt  }
0x76: {  	_ =	shalt  }
0x77: {  	_ =	shalt  }
0x78: {  	_ =	shalt  }
0x79: {  	_ =	shalt  }
0x7a: {  	_ =	shalt  }
0x7b: {  	_ =	shalt  }
0x7c: {  	_ =	shalt  }
0x7d: {  	_ =	shalt  }
0x7e: {  	_ =	shalt  }
0x7f: {  	_ =	shalt  }
0x80: {  	_ =	shalt  }
0x81: {  	_ =	shalt  }
0x82: {  	_ =	shalt  }
0x83: {  	_ =	shalt  }
0x84: {  	_ =	shalt  }
0x85: {  	_ =	shalt  }
0x86: {  	_ =	shalt  }
0x87: {  	_ =	shalt  }
.Lfunc_end0:
.L_simem_size_0:
called_computation_lowered:
.L_overlay_start_0:
0x88: {  	s2 =	sld [smem:$0x3FD9]  }
0x89: {  	s3 =	sld [smem:$0x3FFE];
	_ =	sdelay $0x1  }
0x8a: {  	s1 =	srdreg.scid  }
0x8b: {  	s0 =	sand.u32 $0x1, s1  }
0x8c: {  	s16 =	sshll.u32 s0, $0xA;
	s2 =	sadd.s32 s3, s2  }
0x8d: {  	s2 =	sadd.s32 s2, s16  }
0x8e: {  	[smem:$0x3FC5] =	sst s2  }
0x8f: {  	_ = 	snop  }
0x90: {  	(tm) =	ssettm $0x1  }
0x91: {  	s17 =	sld [smem:$0x3FFB];
	_ =	sdelay $0x3  }
0x92: {  	_ =	strace s17  }
0x93: {  	s2 =	sld [smem:$0x3FFC];
	_ =	sdelay $0x3  }
0x94: {  	_ =	strace s2  }
0x95: {  	s2 =	sld [smem:$0x3FFD];
	_ =	sdelay $0x3  }
0x96: {  	_ =	strace s2  }
0x97: {  	_ =	strace $0x8FFFFFFF  }
0x98: {  	s18 =	sld [smem:$0x3FDB];
	_ =	sdelay $0x1  }
0x99: {  	s19 =	simm.s32 $_scs_section_size  }
0x9a: {  	s4 =	simm.s32 $_size__tile_overlayer_lowered;
	s5 =	simm.s32 $_tile_overlayer_lowered  }
0x9b: {  	s22 =	simm.s32 $0x1BFF;
	s21 =	sshll.u32 s5, $0x1;
	s2 =	sadd.s32 s19, s18  }
0x9c: {  	s6 =	simm.s32 $0x0;
	s20 =	sshll.u32 s4, $0x1;
	s4 =	sadd.s32 s21, s2  }
0x9d: {  	[timem:s6], [sflag:s22] =	dma.local [hbm:s4], s20  }
0x9e: {  	_ =	swait.ge [sflag:s22], s20  }
0x9f: {  	s3 =	ssub.s32 $0x0, s20;
	[sflag:s22] =	ssyncset.done $0x0  }
0xa0: {  	[sflag:s22] =	ssyncadd.s32 s3;
	_ =	sdelay $0x1  }
0xa1: {  	s23 =	simm.s32 $0x1B8B  }
0xa2: {  	_ =	swait.ge [sflag:s23], $0x1  }
0xa3: {  	[sflag:s23] =	ssyncset.done $0x0  }
0xa4: {  	s25 =	simm.s32 $0x1B8E;
	s24 =	sld [smem:$0x3FFE];
	[sflag:s23] =	ssyncadd.s32 $0xFFFFFFFF  }
0xa5: {  	s26 =	simm.s32 $execute0_lowered;
	[smem:$0x3FD2] =	sst s25  }
0xa6: {  	s4 =	sshll.u32 s26, $0x1;
	_ =	strace $0x80000046;
	[dreg:$0x1] =	wrdreg $0xFFFFFFFF  }
0xa7: {  	s28 =	simm.s32 $_size_execute0_lowered;
	s2 =	sadd.s32 s2, s4;
	[dreg:$0x0] =	wrdreg $0x0  }
0xa8: {  	s4 =	sshll.u32 s28, $0x1;
	[dreg:$0x2] =	wrdreg s2  }
0xa9: {  	[dreg:$0x3] =	wrdreg s4  }
0xaa: {  	[dreg:$0x4] =	wrdreg $0xC0  }
0xab: {  	_ =	task [dreg:s6], $0x5FFFF  }
0xac: {  	[dreg:$0x1] =	wrdreg $0xFFFFFFFF  }
0xad: {  	[dreg:$0x0] =	wrdreg $0x60  }
0xae: {  	[dreg:$0x2] =	wrdreg s24  }
0xaf: {  	[dreg:$0x3] =	wrdreg $0x9  }
0xb0: {  	_ =	task.clear_ibuf [dreg:s6], $0x4FFFF;
	_ =	strace $0x90000046  }
0xb1: {  	s29 =	simm.s32 $0x9;
	_ =	strace $0x80000048  }
0xb2: {  	_ =	swait.ge [sflag:s29], $0x1  }
0xb3: {  	[sflag:s29] =	ssyncadd.s32 $0xFFFFFFFF  }
0xb4: {  	_ =	strace $0x90000048  }
0xb5: {  	_ =	sfence  }
0xb6: {  	s30 =	sld [smem:$0x0];
	_ =	sdelay $0x2  }
0xb7: {  	s31 =	sshll.u32 s1, $0xD;
	s1 =	sshrl.u32 s1, $0x2  }
0xb8: {  	s3 =	sand.u32 $0x4000, s31;
	s1 =	sadd.s32 s1, s30  }
0xb9: {  	s0 =	sor.u32 s3, s0;
	s1 =	sshll.u32 s1, $0x11  }
0xba: {  	s0 =	sor.u32 s1, s0  }
0xbb: {  	s0 =	sadd.s32 $0x8F2B, s0  }
0xbc: {  	[sflag:s0] =	ssyncadd.remote.s32 $0x1  }
0xbd: {  	_ =	sfence.sel $0xFFFF  }
0xbe: {  	[dreg:$0x0] =	wrdreg $0xFFFFFFFF;
	(pc) =	sbr.abs _section_cstart, $3  }
0xbf: {  	[dreg:$0x1] =	wrdreg $0xFFFFFFFF  }
0xc0: {  	_ =	task.clear_ibuf [dreg:s6], $0x2FFFF;
	_ =	strace $0x9FFFFFFF  }
0xc1: {  	(tm) =	ssettm $0x7FFFFFFF  }
tec
execute0_lowered:
.L_overlay_start_1:
0x0: {  	(tag) =	ssettag $0x1  }
0x1: {  	s1 =	srdreg.scid  }
0x2: {  	s0 =	stileid.u32;
	s4 =	rddreg [dreg:$0x0]  }
0x3: {  	s2 =	simm.s32 $0x0;
	s9 =	simm.s32 $0x18000;
	s10 =	simm.s32 $0x0  }
0x4: {  	s3 =	sand.u32 $0x1, s1;
	s5 =	sshll.u32 s0, $0x1;
	s1 =	rddreg [dreg:$0x1]  }
0x5: {  	[smem:$0x7FF] =	sst s2;
	s5 =	sor.u32 s3, s5;
	s7 =	ssub.s32 $0x2, s3  }
0x6: {  	s6 =	smul.u32 $0x1800, s5;
	s5 =	sshll.u32 s5, $0x4;
	s8 =	sshrl.u32 s7, $0x1  }
0x7: {  	_ =	strace $0x80000047;
	s5 =	sadd.s32 s5, s4;
	s31 =	ssub.s32 s7, s8  }
0x8: {  	s7 =	simm.s32 $0x1;
	s8 =	simm.s32 $0xC000;
	s3 =	sadd.s32 s4, s6  }
0x9: {  	s5 =	sadd.s32 $0x60000, s5;
	s6 =	smax.u32 s31, $0x1;
	s4 =	sadd.s32 $0x30000, s3  }
.LBB2_1:
0xa: {  	[tilespmem:s2], [sflag:$0x1] =	stream.linear.gather [hbm4b:s3+s2], $0xC000, $0x38;
	[tilespmem:$0x18080] =	vst v63  }
0xb: {  	_ =	swait.ge [sflag:s7], $0xC000  }
0xc: {  	[sflag:s7] =	ssyncset.done $0x0  }
0xd: {  	[sflag:s7] =	ssyncadd.s32 $0xFFFF4000  }
0xe: {  	[tilespmem:s8], [sflag:$0x1] =	stream.linear.gather [hbm4b:s4+s2], $0xC000, $0x38;
	[tilespmem:$0x18080] =	vst v63  }
0xf: {  	_ =	swait.ge [sflag:s7], $0xC000  }
0x10: {  	[sflag:s7] =	ssyncset.done $0x0  }
0x11: {  	s12 =	simm.s32 $0x0;
	[sflag:s7] =	ssyncadd.s32 $0xFFFF4000  }
0x12: {  	v1 =	vld [tilespmem:s12+$0x0]  }
0x13: {  	v2 =	vld [tilespmem:s12+$0xC000];
	_ =	sdelay $0x2  }
0x14: {  	v0 =	vimm.f32 $0.0e+00;
	s11 =	simm.s32 $0x40  }
.LBB2_2:
0x15: {  	s12 =	sshra.s32 s11, $0x2;
	p0 =	sne.s32 s11, $0x2FFC0  }
.Ltmp0:
0x16: {  	s11 =	sadd.s32 $0x40, s11;
	v3 =	vsub.f32 v1, v2;
	v1 =	vld [tilespmem:s12+$0x0];
	(pc) =	sbr.rel @p0 .LBB2_2-.Ltmp0, $3  }
0x17: {  	v2 =	vld [tilespmem:s12+$0xC000]  }
0x18: {  	v3 =	vmul.f32 v3, v3;
	_ =	sdelay $0x1  }
0x19: {  	v0 =	vadd.f32 v3, v0  }
0x1a: {  	_ = 	snop  }
0x1b: {  	v1 =	vsub.f32 v1, v2;
	_ =	sdelay $0x1  }
0x1c: {  	v1 =	vmul.f32 v1, v1;
	_ =	sdelay $0x1  }
0x1d: {  	s10 =	sadd.s32 $0x1, s10;
	v0 =	vadd.f32 v1, v0  }
0x1e: {  	p0 =	sne.s32 s10, s6  }
.Ltmp1:
0x1f: {  	[tilespmem:$0x18000] =	vst v0;
	(pc) =	sbr.rel @p0 .LBB2_1-.Ltmp1, $4  }
0x20: {  	[hbm4b:s5+s2] =	stream.linear.scatter [tilespmem:s9], [sflag:$0x1], $0x80, $0x38;
	[tilespmem:$0x18080] =	vst v63  }
0x21: {  	_ =	swait.ge [sflag:s7], $0x80  }
0x22: {  	[sflag:s7] =	ssyncset.done $0x0  }
0x23: {  	[sflag:s7] =	ssyncadd.s32 $0xFFFFFF80  }
0x24: {  	_ =	sfence.sel $0x180000  }
0x25: {  	[bflag:$0x0] =	sbarrier.arrive $0xFFFF  }
0x26: {  	p0 =	sne.s32 s0, $0x0;
	_ =	strace $0x90000047  }
0x27: {  	s0 =	sadd.s32 @!p0 $0x100000, s1;
	[bflag:$0x2] =	sbarrier.arrive $0xFFFF  }
0x28: {  	[sflag:s0] =	ssyncadd.tile.s32 @!p0 $0x1;
	_ =	shalt  }
.Lfunc_end2:
_tile_overlayer_lowered:
.L_overlay_start_2:
0x29: {  	(tag) =	ssettag $0x2  }
0x2a: {  	s0 =	rddreg [dreg:$0x0];
	s2 =	stileid.u32  }
0x2b: {  	s1 =	rddreg [dreg:$0x1];
	p0 =	sne.s32 s2, $0x0  }
0x2c: {  	s3 =	rddreg [dreg:$0x2];
	[bflag:$0x3] =	sbarrier.arrive $0xFFFF;
	s2 =	simm.s32 @!p0 $0x1C01  }
0x2d: {  	[timem:s3], [sflag:s2] =	dma.local @!p0 [hbm:s0], s1  }
0x2e: {  	s0 =	simm.s32 @!p0 $0x1  }
0x2f: {  	_ =	swait.ge @!p0 [sflag:s0], s1  }
0x30: {  	s1 =	ssub.s32 @!p0 $0x0, s1;
	[sflag:s0] =	ssyncset.done @!p0 $0x0  }
0x31: {  	[sflag:s0] =	ssyncadd.s32 @!p0 s1  }
0x32: {  	[bflag:$0x3] =	sbarrier.arrive $0xFFFF  }
0x33: {  	_ =	shalt  }

</sc_bundles>
